<compile_context>
chip_gen: v7x
topology: tpu7x:2x2x1
jax: 0.10.2.dev20260603
libtpu: 0.0.44.dev20260713+nightly
codegen_flags: <defaults>
</compile_context>

<pallas_src>
import functools

import jax
import jax.numpy as jnp
from jax import lax
from jax.experimental import pallas as pl
from jax.experimental.pallas import tpu as pltpu
from jax.experimental.pallas import tpu_sc as plsc

BATCH = 16384
FIELDS = 26
DIM = 128
TOTAL_ROWS = BATCH * FIELDS
NUM_CORES = 2
NUM_SUBCORES = 16
NUM_WORKERS = NUM_CORES * NUM_SUBCORES
ROWS_PER_WORKER = TOTAL_ROWS // NUM_WORKERS
GATHER_ROWS = 128
BLOCKS_PER_WORKER = ROWS_PER_WORKER // GATHER_ROWS
IDX_BLOCKS = TOTAL_ROWS // GATHER_ROWS
NB = 2
NGROUPS = BLOCKS_PER_WORKER // NB

_mesh = plsc.VectorSubcoreMesh(core_axis_name="c", subcore_axis_name="s")


@functools.partial(
    pl.kernel,
    mesh=_mesh,
    compiler_params=pltpu.CompilerParams(use_tc_tiling_on_sc=False),
    out_type=jax.ShapeDtypeStruct((IDX_BLOCKS, GATHER_ROWS, DIM), jnp.float32),
    scratch_types=[
        pltpu.VMEM((BLOCKS_PER_WORKER, GATHER_ROWS), jnp.int32),
        pltpu.VMEM((NB, GATHER_ROWS, DIM), jnp.float32),
        pltpu.VMEM((NB, GATHER_ROWS, DIM), jnp.float32),
        pltpu.SemaphoreType.DMA,
        pltpu.SemaphoreType.DMA,
        pltpu.SemaphoreType.DMA,
        pltpu.SemaphoreType.DMA,
    ],
)
def _sc_gather(idx_hbm, table_hbm, out_hbm, idx_v, rows0, rows1,
               gsem0, gsem1, wsem0, wsem1):
    wid = lax.axis_index("s") * NUM_CORES + lax.axis_index("c")
    blk_base = wid * BLOCKS_PER_WORKER
    rows = (rows0, rows1)
    gsem = (gsem0, gsem1)
    wsem = (wsem0, wsem1)

    pltpu.sync_copy(idx_hbm.at[pl.ds(blk_base, BLOCKS_PER_WORKER)], idx_v)

    def start_gathers(group, s):
        for b in range(NB):
            blk = group * NB + b
            pltpu.async_copy(table_hbm.at[idx_v.at[blk]], rows[s].at[b], gsem[s])

    def wait_gathers(s):
        for b in range(NB):
            pltpu.make_async_copy(
                out_hbm.at[0], rows[s].at[b], gsem[s]
            ).wait()

    def start_writes(group, s):
        pltpu.async_copy(
            rows[s], out_hbm.at[pl.ds(blk_base + group * NB, NB)], wsem[s]
        )

    def wait_writes(s):
        pltpu.make_async_copy(
            rows[s], out_hbm.at[pl.ds(0, NB)], wsem[s]
        ).wait()

    start_gathers(0, 0)

    def body(i, carry):
        h0 = 2 * i
        @pl.when(h0 >= 1)
        def _():
            wait_writes(1)

        start_gathers(h0 + 1, 1)
        wait_gathers(0)
        start_writes(h0, 0)
        wait_writes(0)

        @pl.when(h0 + 2 < NGROUPS)
        def _():
            start_gathers(h0 + 2, 0)

        wait_gathers(1)
        start_writes(h0 + 1, 1)
        return carry

    lax.fori_loop(0, NGROUPS // 2, body, 0)
    wait_writes(1)


def kernel(x, weight):
    idx = x.T.reshape(IDX_BLOCKS, GATHER_ROWS)
    out = _sc_gather(idx, weight)
    return out.reshape(FIELDS, BATCH, DIM).transpose(1, 0, 2)

# --- scband reference (transcript-rebuilt; emitter-appended) ---
"""Pipeline reference for scband-dcembedding-65627100283605 (READ-ONLY COPY).

The authoritative reference and input builder live on the scoring server;
editing this copy changes nothing except your own understanding.
"""

import jax, jax.numpy as jnp
import numpy as np

NUM_EMBEDDINGS = 100000
EMBEDDING_DIM = 128
BATCH = 16384
FIELDS = 26

def setup_inputs(seed: int = 0) -> dict:
    key = jax.random.key(seed)
    k_idx, k_w = jax.random.split(key)
    x = jax.random.randint(k_idx, (BATCH, FIELDS), 0, NUM_EMBEDDINGS, dtype=jnp.int64) if jax.config.jax_enable_x64 else jax.random.randint(k_idx, (BATCH, FIELDS), 0, NUM_EMBEDDINGS, dtype=jnp.int32)
    weight = jax.random.normal(k_w, (NUM_EMBEDDINGS, EMBEDDING_DIM), dtype=jnp.float32)
    return {"x": x, "weight": weight}

def reference(x, weight):
    # nn.Embedding forward: gather rows of the weight table by index
    return jnp.take(weight, x, axis=0)

if __name__ == "__main__":
    import jax
    _d = setup_inputs()
    print(jax.jit(kernel)(*tuple(_d.values())))

</pallas_src>

<mosaic_0001>
#map = affine_map<(d0, d1) -> (0, 0)>
#map1 = affine_map<(d0, d1) -> (0, 0, 0)>
module attributes {stable_mosaic.version = 14 : i64} {
  func.func @_sc_gather(%arg0: i32, %arg1: i32, %arg2: memref<3328x128xi32, #tpu.memory_space<hbm>>, %arg3: memref<100000x128xf32, #tpu.memory_space<hbm>>, %arg4: memref<3328x128x128xf32, #tpu.memory_space<hbm>>, %arg5: memref<104x128xi32, #tpu.memory_space<vmem>>, %arg6: memref<2x128x128xf32, #tpu.memory_space<vmem>>, %arg7: memref<2x128x128xf32, #tpu.memory_space<vmem>>, %arg8: memref<!tpu.dma_semaphore, #tpu.memory_space<semaphore_mem>>, %arg9: memref<!tpu.dma_semaphore, #tpu.memory_space<semaphore_mem>>, %arg10: memref<!tpu.dma_semaphore, #tpu.memory_space<semaphore_mem>>, %arg11: memref<!tpu.dma_semaphore, #tpu.memory_space<semaphore_mem>>) attributes {dimension_semantics = [#tpu.dimension_semantics<core_parallel>, #tpu.dimension_semantics<subcore_parallel>], iteration_bounds = array<i64: 2, 16>, scalar_prefetch = 0 : i64, scratch_operands = 7 : i64, tpu.core_type = #tpu.core_type<sc_vector_subcore>, window_params = [{transform_indices = #map}, {transform_indices = #map}, {transform_indices = #map1}]} {
    %mul3A = arith.constant 2 : i32
    %mul3A_0 = arith.muli %arg1, %mul3A : i32
    %add3A = arith.addi %mul3A_0, %arg0 : i32
    %mul3A_1 = arith.constant 104 : i32
    %mul3A_2 = arith.muli %add3A, %mul3A_1 : i32
    "tpu.region"() ({
      %run_scoped3A = tpu.sem_alloc : memref<!tpu.dma_semaphore, #tpu.memory_space<semaphore_mem>>
      %dma_start3A_38 = arith.constant 0 : i32
      %dma_start3A_39 = tpu.memref_slice %arg2[%mul3A_2, %dma_start3A_38] : memref<3328x128xi32, #tpu.memory_space<hbm>> -> memref<104x128xi32, #tpu.memory_space<hbm>>
      %dma_start3A_40 = arith.constant 0 : i32
      %dma_start3A_41 = tpu.memref_slice %arg2[%mul3A_2, %dma_start3A_40] : memref<3328x128xi32, #tpu.memory_space<hbm>> -> memref<104x128xi32, #tpu.memory_space<hbm>>
      tpu.enqueue_dma source(%dma_start3A_41 : memref<104x128xi32, #tpu.memory_space<hbm>>) target(%arg5 : memref<104x128xi32, #tpu.memory_space<vmem>>) target_semaphore(%run_scoped3A : memref<!tpu.dma_semaphore, #tpu.memory_space<semaphore_mem>>)
      %dma_wait3A_42 = arith.constant 0 : i32
      %dma_wait3A_43 = tpu.memref_slice %arg2[%mul3A_2, %dma_wait3A_42] : memref<3328x128xi32, #tpu.memory_space<hbm>> -> memref<104x128xi32, #tpu.memory_space<hbm>>
      %dma_wait3A_44 = arith.constant 0 : i32
      %dma_wait3A_45 = tpu.memref_slice %arg2[%mul3A_2, %dma_wait3A_44] : memref<3328x128xi32, #tpu.memory_space<hbm>> -> memref<104x128xi32, #tpu.memory_space<hbm>>
      tpu.wait_dma2 semaphore(%run_scoped3A : memref<!tpu.dma_semaphore, #tpu.memory_space<semaphore_mem>>) src(%dma_wait3A_45 : memref<104x128xi32, #tpu.memory_space<hbm>>) dst(%arg5 : memref<104x128xi32, #tpu.memory_space<vmem>>)
      tpu.yield
    }) : () -> ()
    %dma_start3A = arith.constant 0 : i32
    %dma_start3A_3 = arith.constant 0 : i32
    %dma_start3A_4 = arith.constant 0 : i32
    %dma_start3A_5 = arith.constant 0 : i32
    %dma_start3A_6 = tpu.memref_slice %arg6[%dma_start3A_3, %dma_start3A_4, %dma_start3A_5] : memref<2x128x128xf32, #tpu.memory_space<vmem>> -> memref<1x128x128xf32, #tpu.memory_space<vmem>>
    %dma_start3A_7 = tpu.memref_squeeze %dma_start3A_6 : memref<1x128x128xf32, #tpu.memory_space<vmem>> -> memref<128x128xf32, #tpu.memory_space<vmem>>
    %dma_start3A_8 = arith.constant 0 : i32
    %dma_start3A_9 = tpu.memref_slice %arg5[%dma_start3A, %dma_start3A_8] : memref<104x128xi32, #tpu.memory_space<vmem>> -> memref<1x128xi32, #tpu.memory_space<vmem>>
    %dma_start3A_10 = tpu.memref_squeeze %dma_start3A_9 : memref<1x128xi32, #tpu.memory_space<vmem>> -> memref<128xi32, #tpu.memory_space<vmem>>
    %dma_start3A_11 = arith.constant 0 : i32
    %dma_start3A_12 = arith.constant 0 : i32
    %dma_start3A_13 = tpu.memref_slice %arg3[%dma_start3A_11, %dma_start3A_12] : memref<100000x128xf32, #tpu.memory_space<hbm>> -> memref<100000x128xf32, #tpu.memory_space<hbm>>
    tpu.enqueue_indirect_dma source(%dma_start3A_13 : memref<100000x128xf32, #tpu.memory_space<hbm>>) target(%dma_start3A_7 : memref<128x128xf32, #tpu.memory_space<vmem>>) offsets(%dma_start3A_10 : memref<128xi32, #tpu.memory_space<vmem>>) semaphore(%arg8 : memref<!tpu.dma_semaphore, #tpu.memory_space<semaphore_mem>>)
    %dma_start3A_14 = arith.constant 1 : i32
    %dma_start3A_15 = arith.constant 1 : i32
    %dma_start3A_16 = arith.constant 0 : i32
    %dma_start3A_17 = arith.constant 0 : i32
    %dma_start3A_18 = tpu.memref_slice %arg6[%dma_start3A_15, %dma_start3A_16, %dma_start3A_17] : memref<2x128x128xf32, #tpu.memory_space<vmem>> -> memref<1x128x128xf32, #tpu.memory_space<vmem>>
    %dma_start3A_19 = tpu.memref_squeeze %dma_start3A_18 : memref<1x128x128xf32, #tpu.memory_space<vmem>> -> memref<128x128xf32, #tpu.memory_space<vmem>>
    %dma_start3A_20 = arith.constant 0 : i32
    %dma_start3A_21 = tpu.memref_slice %arg5[%dma_start3A_14, %dma_start3A_20] : memref<104x128xi32, #tpu.memory_space<vmem>> -> memref<1x128xi32, #tpu.memory_space<vmem>>
    %dma_start3A_22 = tpu.memref_squeeze %dma_start3A_21 : memref<1x128xi32, #tpu.memory_space<vmem>> -> memref<128xi32, #tpu.memory_space<vmem>>
    %dma_start3A_23 = arith.constant 0 : i32
    %dma_start3A_24 = arith.constant 0 : i32
    %dma_start3A_25 = tpu.memref_slice %arg3[%dma_start3A_23, %dma_start3A_24] : memref<100000x128xf32, #tpu.memory_space<hbm>> -> memref<100000x128xf32, #tpu.memory_space<hbm>>
    tpu.enqueue_indirect_dma source(%dma_start3A_25 : memref<100000x128xf32, #tpu.memory_space<hbm>>) target(%dma_start3A_19 : memref<128x128xf32, #tpu.memory_space<vmem>>) offsets(%dma_start3A_22 : memref<128xi32, #tpu.memory_space<vmem>>) semaphore(%arg8 : memref<!tpu.dma_semaphore, #tpu.memory_space<semaphore_mem>>)
    %scan3A = arith.constant 0 : i32
    %scan3A_26 = arith.constant 0 : i32
    %scan3A_27 = arith.constant 26 : i32
    %scan3A_28 = arith.addi %scan3A_26, %scan3A_27 : i32
    %scan3A_29 = arith.constant 1 : i32
    scf.for %scan3A_38 = %scan3A_26 to %scan3A_28 step %scan3A_29  : i32 {
      %mul3A_39 = arith.constant 2 : i32
      %mul3A_40 = arith.muli %mul3A_39, %scan3A_38 : i32
      %ge3A = arith.constant 1 : i32
      %ge3A_41 = arith.cmpi sge, %mul3A_40, %ge3A : i32
      %convert_element_type3A = arith.extui %ge3A_41 : i1 to i32
      %cond3A = arith.constant 0 : i32
      %cond3A_42 = arith.cmpi ne, %convert_element_type3A, %cond3A : i32
      scf.if %cond3A_42 {
        %dma_wait3A_181 = arith.constant 0 : i32
        %dma_wait3A_182 = arith.constant 0 : i32
        %dma_wait3A_183 = arith.constant 0 : i32
        %dma_wait3A_184 = tpu.memref_slice %arg4[%dma_wait3A_181, %dma_wait3A_182, %dma_wait3A_183] : memref<3328x128x128xf32, #tpu.memory_space<hbm>> -> memref<2x128x128xf32, #tpu.memory_space<hbm>>
        %dma_wait3A_185 = arith.constant 0 : i32
        %dma_wait3A_186 = arith.constant 0 : i32
        %dma_wait3A_187 = arith.constant 0 : i32
        %dma_wait3A_188 = tpu.memref_slice %arg4[%dma_wait3A_185, %dma_wait3A_186, %dma_wait3A_187] : memref<3328x128x128xf32, #tpu.memory_space<hbm>> -> memref<2x128x128xf32, #tpu.memory_space<hbm>>
        tpu.wait_dma2 semaphore(%arg11 : memref<!tpu.dma_semaphore, #tpu.memory_space<semaphore_mem>>) src(%arg7 : memref<2x128x128xf32, #tpu.memory_space<vmem>>) dst(%dma_wait3A_188 : memref<2x128x128xf32, #tpu.memory_space<hbm>>)
      } else {
      }
      %add3A_43 = arith.constant 1 : i32
      %add3A_44 = arith.addi %mul3A_40, %add3A_43 : i32
      %mul3A_45 = arith.constant 2 : i32
      %mul3A_46 = arith.muli %add3A_44, %mul3A_45 : i32
      %add3A_47 = arith.constant 0 : i32
      %add3A_48 = arith.addi %mul3A_46, %add3A_47 : i32
      %dma_start3A_49 = arith.constant 0 : i32
      %dma_start3A_50 = arith.constant 0 : i32
      %dma_start3A_51 = arith.constant 0 : i32
      %dma_start3A_52 = tpu.memref_slice %arg7[%dma_start3A_49, %dma_start3A_50, %dma_start3A_51] : memref<2x128x128xf32, #tpu.memory_space<vmem>> -> memref<1x128x128xf32, #tpu.memory_space<vmem>>
      %dma_start3A_53 = tpu.memref_squeeze %dma_start3A_52 : memref<1x128x128xf32, #tpu.memory_space<vmem>> -> memref<128x128xf32, #tpu.memory_space<vmem>>
      %dma_start3A_54 = arith.constant 0 : i32
      %dma_start3A_55 = tpu.memref_slice %arg5[%add3A_48, %dma_start3A_54] : memref<104x128xi32, #tpu.memory_space<vmem>> -> memref<1x128xi32, #tpu.memory_space<vmem>>
      %dma_start3A_56 = tpu.memref_squeeze %dma_start3A_55 : memref<1x128xi32, #tpu.memory_space<vmem>> -> memref<128xi32, #tpu.memory_space<vmem>>
      %dma_start3A_57 = arith.constant 0 : i32
      %dma_start3A_58 = arith.constant 0 : i32
      %dma_start3A_59 = tpu.memref_slice %arg3[%dma_start3A_57, %dma_start3A_58] : memref<100000x128xf32, #tpu.memory_space<hbm>> -> memref<100000x128xf32, #tpu.memory_space<hbm>>
      tpu.enqueue_indirect_dma source(%dma_start3A_59 : memref<100000x128xf32, #tpu.memory_space<hbm>>) target(%dma_start3A_53 : memref<128x128xf32, #tpu.memory_space<vmem>>) offsets(%dma_start3A_56 : memref<128xi32, #tpu.memory_space<vmem>>) semaphore(%arg9 : memref<!tpu.dma_semaphore, #tpu.memory_space<semaphore_mem>>)
      %mul3A_60 = arith.constant 2 : i32
      %mul3A_61 = arith.muli %add3A_44, %mul3A_60 : i32
      %add3A_62 = arith.constant 1 : i32
      %add3A_63 = arith.addi %mul3A_61, %add3A_62 : i32
      %dma_start3A_64 = arith.constant 1 : i32
      %dma_start3A_65 = arith.constant 0 : i32
      %dma_start3A_66 = arith.constant 0 : i32
      %dma_start3A_67 = tpu.memref_slice %arg7[%dma_start3A_64, %dma_start3A_65, %dma_start3A_66] : memref<2x128x128xf32, #tpu.memory_space<vmem>> -> memref<1x128x128xf32, #tpu.memory_space<vmem>>
      %dma_start3A_68 = tpu.memref_squeeze %dma_start3A_67 : memref<1x128x128xf32, #tpu.memory_space<vmem>> -> memref<128x128xf32, #tpu.memory_space<vmem>>
      %dma_start3A_69 = arith.constant 0 : i32
      %dma_start3A_70 = tpu.memref_slice %arg5[%add3A_63, %dma_start3A_69] : memref<104x128xi32, #tpu.memory_space<vmem>> -> memref<1x128xi32, #tpu.memory_space<vmem>>
      %dma_start3A_71 = tpu.memref_squeeze %dma_start3A_70 : memref<1x128xi32, #tpu.memory_space<vmem>> -> memref<128xi32, #tpu.memory_space<vmem>>
      %dma_start3A_72 = arith.constant 0 : i32
      %dma_start3A_73 = arith.constant 0 : i32
      %dma_start3A_74 = tpu.memref_slice %arg3[%dma_start3A_72, %dma_start3A_73] : memref<100000x128xf32, #tpu.memory_space<hbm>> -> memref<100000x128xf32, #tpu.memory_space<hbm>>
      tpu.enqueue_indirect_dma source(%dma_start3A_74 : memref<100000x128xf32, #tpu.memory_space<hbm>>) target(%dma_start3A_68 : memref<128x128xf32, #tpu.memory_space<vmem>>) offsets(%dma_start3A_71 : memref<128xi32, #tpu.memory_space<vmem>>) semaphore(%arg9 : memref<!tpu.dma_semaphore, #tpu.memory_space<semaphore_mem>>)
      %dma_wait3A_75 = arith.constant 0 : i32
      %dma_wait3A_76 = arith.constant 0 : i32
      %dma_wait3A_77 = arith.constant 0 : i32
      %dma_wait3A_78 = arith.constant 0 : i32
      %dma_wait3A_79 = tpu.memref_slice %arg6[%dma_wait3A_76, %dma_wait3A_77, %dma_wait3A_78] : memref<2x128x128xf32, #tpu.memory_space<vmem>> -> memref<1x128x128xf32, #tpu.memory_space<vmem>>
      %dma_wait3A_80 = tpu.memref_squeeze %dma_wait3A_79 : memref<1x128x128xf32, #tpu.memory_space<vmem>> -> memref<128x128xf32, #tpu.memory_space<vmem>>
      %dma_wait3A_81 = arith.constant 0 : i32
      %dma_wait3A_82 = arith.constant 0 : i32
      %dma_wait3A_83 = tpu.memref_slice %arg4[%dma_wait3A_75, %dma_wait3A_81, %dma_wait3A_82] : memref<3328x128x128xf32, #tpu.memory_space<hbm>> -> memref<1x128x128xf32, #tpu.memory_space<hbm>>
      %dma_wait3A_84 = tpu.memref_squeeze %dma_wait3A_83 : memref<1x128x128xf32, #tpu.memory_space<hbm>> -> memref<128x128xf32, #tpu.memory_space<hbm>>
      %dma_wait3A_85 = arith.constant 0 : i32
      %dma_wait3A_86 = arith.constant 0 : i32
      %dma_wait3A_87 = tpu.memref_slice %arg6[%dma_wait3A_76, %dma_wait3A_85, %dma_wait3A_86] : memref<2x128x128xf32, #tpu.memory_space<vmem>> -> memref<1x128x128xf32, #tpu.memory_space<vmem>>
      %dma_wait3A_88 = tpu.memref_squeeze %dma_wait3A_87 : memref<1x128x128xf32, #tpu.memory_space<vmem>> -> memref<128x128xf32, #tpu.memory_space<vmem>>
      %dma_wait3A_89 = arith.constant 0 : i32
      %dma_wait3A_90 = arith.constant 0 : i32
      %dma_wait3A_91 = tpu.memref_slice %arg4[%dma_wait3A_75, %dma_wait3A_89, %dma_wait3A_90] : memref<3328x128x128xf32, #tpu.memory_space<hbm>> -> memref<1x128x128xf32, #tpu.memory_space<hbm>>
      %dma_wait3A_92 = tpu.memref_squeeze %dma_wait3A_91 : memref<1x128x128xf32, #tpu.memory_space<hbm>> -> memref<128x128xf32, #tpu.memory_space<hbm>>
      tpu.wait_dma2 semaphore(%arg8 : memref<!tpu.dma_semaphore, #tpu.memory_space<semaphore_mem>>) src(%dma_wait3A_92 : memref<128x128xf32, #tpu.memory_space<hbm>>) dst(%dma_wait3A_88 : memref<128x128xf32, #tpu.memory_space<vmem>>)
      %dma_wait3A_93 = arith.constant 0 : i32
      %dma_wait3A_94 = arith.constant 1 : i32
      %dma_wait3A_95 = arith.constant 0 : i32
      %dma_wait3A_96 = arith.constant 0 : i32
      %dma_wait3A_97 = tpu.memref_slice %arg6[%dma_wait3A_94, %dma_wait3A_95, %dma_wait3A_96] : memref<2x128x128xf32, #tpu.memory_space<vmem>> -> memref<1x128x128xf32, #tpu.memory_space<vmem>>
      %dma_wait3A_98 = tpu.memref_squeeze %dma_wait3A_97 : memref<1x128x128xf32, #tpu.memory_space<vmem>> -> memref<128x128xf32, #tpu.memory_space<vmem>>
      %dma_wait3A_99 = arith.constant 0 : i32
      %dma_wait3A_100 = arith.constant 0 : i32
      %dma_wait3A_101 = tpu.memref_slice %arg4[%dma_wait3A_93, %dma_wait3A_99, %dma_wait3A_100] : memref<3328x128x128xf32, #tpu.memory_space<hbm>> -> memref<1x128x128xf32, #tpu.memory_space<hbm>>
      %dma_wait3A_102 = tpu.memref_squeeze %dma_wait3A_101 : memref<1x128x128xf32, #tpu.memory_space<hbm>> -> memref<128x128xf32, #tpu.memory_space<hbm>>
      %dma_wait3A_103 = arith.constant 0 : i32
      %dma_wait3A_104 = arith.constant 0 : i32
      %dma_wait3A_105 = tpu.memref_slice %arg6[%dma_wait3A_94, %dma_wait3A_103, %dma_wait3A_104] : memref<2x128x128xf32, #tpu.memory_space<vmem>> -> memref<1x128x128xf32, #tpu.memory_space<vmem>>
      %dma_wait3A_106 = tpu.memref_squeeze %dma_wait3A_105 : memref<1x128x128xf32, #tpu.memory_space<vmem>> -> memref<128x128xf32, #tpu.memory_space<vmem>>
      %dma_wait3A_107 = arith.constant 0 : i32
      %dma_wait3A_108 = arith.constant 0 : i32
      %dma_wait3A_109 = tpu.memref_slice %arg4[%dma_wait3A_93, %dma_wait3A_107, %dma_wait3A_108] : memref<3328x128x128xf32, #tpu.memory_space<hbm>> -> memref<1x128x128xf32, #tpu.memory_space<hbm>>
      %dma_wait3A_110 = tpu.memref_squeeze %dma_wait3A_109 : memref<1x128x128xf32, #tpu.memory_space<hbm>> -> memref<128x128xf32, #tpu.memory_space<hbm>>
      tpu.wait_dma2 semaphore(%arg8 : memref<!tpu.dma_semaphore, #tpu.memory_space<semaphore_mem>>) src(%dma_wait3A_110 : memref<128x128xf32, #tpu.memory_space<hbm>>) dst(%dma_wait3A_106 : memref<128x128xf32, #tpu.memory_space<vmem>>)
      %mul3A_111 = arith.constant 2 : i32
      %mul3A_112 = arith.muli %mul3A_40, %mul3A_111 : i32
      %add3A_113 = arith.addi %mul3A_2, %mul3A_112 : i32
      %dma_start3A_114 = arith.constant 0 : i32
      %dma_start3A_115 = arith.constant 0 : i32
      %dma_start3A_116 = tpu.memref_slice %arg4[%add3A_113, %dma_start3A_114, %dma_start3A_115] : memref<3328x128x128xf32, #tpu.memory_space<hbm>> -> memref<2x128x128xf32, #tpu.memory_space<hbm>>
      %dma_start3A_117 = arith.constant 0 : i32
      %dma_start3A_118 = arith.constant 0 : i32
      %dma_start3A_119 = tpu.memref_slice %arg4[%add3A_113, %dma_start3A_117, %dma_start3A_118] : memref<3328x128x128xf32, #tpu.memory_space<hbm>> -> memref<2x128x128xf32, #tpu.memory_space<hbm>>
      tpu.enqueue_dma source(%arg6 : memref<2x128x128xf32, #tpu.memory_space<vmem>>) target(%dma_start3A_119 : memref<2x128x128xf32, #tpu.memory_space<hbm>>) target_semaphore(%arg10 : memref<!tpu.dma_semaphore, #tpu.memory_space<semaphore_mem>>)
      %dma_wait3A_120 = arith.constant 0 : i32
      %dma_wait3A_121 = arith.constant 0 : i32
      %dma_wait3A_122 = arith.constant 0 : i32
      %dma_wait3A_123 = tpu.memref_slice %arg4[%dma_wait3A_120, %dma_wait3A_121, %dma_wait3A_122] : memref<3328x128x128xf32, #tpu.memory_space<hbm>> -> memref<2x128x128xf32, #tpu.memory_space<hbm>>
      %dma_wait3A_124 = arith.constant 0 : i32
      %dma_wait3A_125 = arith.constant 0 : i32
      %dma_wait3A_126 = arith.constant 0 : i32
      %dma_wait3A_127 = tpu.memref_slice %arg4[%dma_wait3A_124, %dma_wait3A_125, %dma_wait3A_126] : memref<3328x128x128xf32, #tpu.memory_space<hbm>> -> memref<2x128x128xf32, #tpu.memory_space<hbm>>
      tpu.wait_dma2 semaphore(%arg10 : memref<!tpu.dma_semaphore, #tpu.memory_space<semaphore_mem>>) src(%arg6 : memref<2x128x128xf32, #tpu.memory_space<vmem>>) dst(%dma_wait3A_127 : memref<2x128x128xf32, #tpu.memory_space<hbm>>)
      %add3A_128 = arith.constant 2 : i32
      %add3A_129 = arith.addi %mul3A_40, %add3A_128 : i32
      %lt3A = arith.constant 52 : i32
      %lt3A_130 = arith.cmpi slt, %add3A_129, %lt3A : i32
      %convert_element_type3A_131 = arith.extui %lt3A_130 : i1 to i32
      %cond3A_132 = arith.constant 0 : i32
      %cond3A_133 = arith.cmpi ne, %convert_element_type3A_131, %cond3A_132 : i32
      scf.if %cond3A_133 {
        %add3A_181 = arith.constant 2 : i32
        %add3A_182 = arith.addi %mul3A_40, %add3A_181 : i32
        %mul3A_183 = arith.constant 2 : i32
        %mul3A_184 = arith.muli %add3A_182, %mul3A_183 : i32
        %add3A_185 = arith.constant 0 : i32
        %add3A_186 = arith.addi %mul3A_184, %add3A_185 : i32
        %dma_start3A_187 = arith.constant 0 : i32
        %dma_start3A_188 = arith.constant 0 : i32
        %dma_start3A_189 = arith.constant 0 : i32
        %dma_start3A_190 = tpu.memref_slice %arg6[%dma_start3A_187, %dma_start3A_188, %dma_start3A_189] : memref<2x128x128xf32, #tpu.memory_space<vmem>> -> memref<1x128x128xf32, #tpu.memory_space<vmem>>
        %dma_start3A_191 = tpu.memref_squeeze %dma_start3A_190 : memref<1x128x128xf32, #tpu.memory_space<vmem>> -> memref<128x128xf32, #tpu.memory_space<vmem>>
        %dma_start3A_192 = arith.constant 0 : i32
        %dma_start3A_193 = tpu.memref_slice %arg5[%add3A_186, %dma_start3A_192] : memref<104x128xi32, #tpu.memory_space<vmem>> -> memref<1x128xi32, #tpu.memory_space<vmem>>
        %dma_start3A_194 = tpu.memref_squeeze %dma_start3A_193 : memref<1x128xi32, #tpu.memory_space<vmem>> -> memref<128xi32, #tpu.memory_space<vmem>>
        %dma_start3A_195 = arith.constant 0 : i32
        %dma_start3A_196 = arith.constant 0 : i32
        %dma_start3A_197 = tpu.memref_slice %arg3[%dma_start3A_195, %dma_start3A_196] : memref<100000x128xf32, #tpu.memory_space<hbm>> -> memref<100000x128xf32, #tpu.memory_space<hbm>>
        tpu.enqueue_indirect_dma source(%dma_start3A_197 : memref<100000x128xf32, #tpu.memory_space<hbm>>) target(%dma_start3A_191 : memref<128x128xf32, #tpu.memory_space<vmem>>) offsets(%dma_start3A_194 : memref<128xi32, #tpu.memory_space<vmem>>) semaphore(%arg8 : memref<!tpu.dma_semaphore, #tpu.memory_space<semaphore_mem>>)
        %mul3A_198 = arith.constant 2 : i32
        %mul3A_199 = arith.muli %add3A_182, %mul3A_198 : i32
        %add3A_200 = arith.constant 1 : i32
        %add3A_201 = arith.addi %mul3A_199, %add3A_200 : i32
        %dma_start3A_202 = arith.constant 1 : i32
        %dma_start3A_203 = arith.constant 0 : i32
        %dma_start3A_204 = arith.constant 0 : i32
        %dma_start3A_205 = tpu.memref_slice %arg6[%dma_start3A_202, %dma_start3A_203, %dma_start3A_204] : memref<2x128x128xf32, #tpu.memory_space<vmem>> -> memref<1x128x128xf32, #tpu.memory_space<vmem>>
        %dma_start3A_206 = tpu.memref_squeeze %dma_start3A_205 : memref<1x128x128xf32, #tpu.memory_space<vmem>> -> memref<128x128xf32, #tpu.memory_space<vmem>>
        %dma_start3A_207 = arith.constant 0 : i32
        %dma_start3A_208 = tpu.memref_slice %arg5[%add3A_201, %dma_start3A_207] : memref<104x128xi32, #tpu.memory_space<vmem>> -> memref<1x128xi32, #tpu.memory_space<vmem>>
        %dma_start3A_209 = tpu.memref_squeeze %dma_start3A_208 : memref<1x128xi32, #tpu.memory_space<vmem>> -> memref<128xi32, #tpu.memory_space<vmem>>
        %dma_start3A_210 = arith.constant 0 : i32
        %dma_start3A_211 = arith.constant 0 : i32
        %dma_start3A_212 = tpu.memref_slice %arg3[%dma_start3A_210, %dma_start3A_211] : memref<100000x128xf32, #tpu.memory_space<hbm>> -> memref<100000x128xf32, #tpu.memory_space<hbm>>
        tpu.enqueue_indirect_dma source(%dma_start3A_212 : memref<100000x128xf32, #tpu.memory_space<hbm>>) target(%dma_start3A_206 : memref<128x128xf32, #tpu.memory_space<vmem>>) offsets(%dma_start3A_209 : memref<128xi32, #tpu.memory_space<vmem>>) semaphore(%arg8 : memref<!tpu.dma_semaphore, #tpu.memory_space<semaphore_mem>>)
      } else {
      }
      %dma_wait3A_134 = arith.constant 0 : i32
      %dma_wait3A_135 = arith.constant 0 : i32
      %dma_wait3A_136 = arith.constant 0 : i32
      %dma_wait3A_137 = arith.constant 0 : i32
      %dma_wait3A_138 = tpu.memref_slice %arg7[%dma_wait3A_135, %dma_wait3A_136, %dma_wait3A_137] : memref<2x128x128xf32, #tpu.memory_space<vmem>> -> memref<1x128x128xf32, #tpu.memory_space<vmem>>
      %dma_wait3A_139 = tpu.memref_squeeze %dma_wait3A_138 : memref<1x128x128xf32, #tpu.memory_space<vmem>> -> memref<128x128xf32, #tpu.memory_space<vmem>>
      %dma_wait3A_140 = arith.constant 0 : i32
      %dma_wait3A_141 = arith.constant 0 : i32
      %dma_wait3A_142 = tpu.memref_slice %arg4[%dma_wait3A_134, %dma_wait3A_140, %dma_wait3A_141] : memref<3328x128x128xf32, #tpu.memory_space<hbm>> -> memref<1x128x128xf32, #tpu.memory_space<hbm>>
      %dma_wait3A_143 = tpu.memref_squeeze %dma_wait3A_142 : memref<1x128x128xf32, #tpu.memory_space<hbm>> -> memref<128x128xf32, #tpu.memory_space<hbm>>
      %dma_wait3A_144 = arith.constant 0 : i32
      %dma_wait3A_145 = arith.constant 0 : i32
      %dma_wait3A_146 = tpu.memref_slice %arg7[%dma_wait3A_135, %dma_wait3A_144, %dma_wait3A_145] : memref<2x128x128xf32, #tpu.memory_space<vmem>> -> memref<1x128x128xf32, #tpu.memory_space<vmem>>
      %dma_wait3A_147 = tpu.memref_squeeze %dma_wait3A_146 : memref<1x128x128xf32, #tpu.memory_space<vmem>> -> memref<128x128xf32, #tpu.memory_space<vmem>>
      %dma_wait3A_148 = arith.constant 0 : i32
      %dma_wait3A_149 = arith.constant 0 : i32
      %dma_wait3A_150 = tpu.memref_slice %arg4[%dma_wait3A_134, %dma_wait3A_148, %dma_wait3A_149] : memref<3328x128x128xf32, #tpu.memory_space<hbm>> -> memref<1x128x128xf32, #tpu.memory_space<hbm>>
      %dma_wait3A_151 = tpu.memref_squeeze %dma_wait3A_150 : memref<1x128x128xf32, #tpu.memory_space<hbm>> -> memref<128x128xf32, #tpu.memory_space<hbm>>
      tpu.wait_dma2 semaphore(%arg9 : memref<!tpu.dma_semaphore, #tpu.memory_space<semaphore_mem>>) src(%dma_wait3A_151 : memref<128x128xf32, #tpu.memory_space<hbm>>) dst(%dma_wait3A_147 : memref<128x128xf32, #tpu.memory_space<vmem>>)
      %dma_wait3A_152 = arith.constant 0 : i32
      %dma_wait3A_153 = arith.constant 1 : i32
      %dma_wait3A_154 = arith.constant 0 : i32
      %dma_wait3A_155 = arith.constant 0 : i32
      %dma_wait3A_156 = tpu.memref_slice %arg7[%dma_wait3A_153, %dma_wait3A_154, %dma_wait3A_155] : memref<2x128x128xf32, #tpu.memory_space<vmem>> -> memref<1x128x128xf32, #tpu.memory_space<vmem>>
      %dma_wait3A_157 = tpu.memref_squeeze %dma_wait3A_156 : memref<1x128x128xf32, #tpu.memory_space<vmem>> -> memref<128x128xf32, #tpu.memory_space<vmem>>
      %dma_wait3A_158 = arith.constant 0 : i32
      %dma_wait3A_159 = arith.constant 0 : i32
      %dma_wait3A_160 = tpu.memref_slice %arg4[%dma_wait3A_152, %dma_wait3A_158, %dma_wait3A_159] : memref<3328x128x128xf32, #tpu.memory_space<hbm>> -> memref<1x128x128xf32, #tpu.memory_space<hbm>>
      %dma_wait3A_161 = tpu.memref_squeeze %dma_wait3A_160 : memref<1x128x128xf32, #tpu.memory_space<hbm>> -> memref<128x128xf32, #tpu.memory_space<hbm>>
      %dma_wait3A_162 = arith.constant 0 : i32
      %dma_wait3A_163 = arith.constant 0 : i32
      %dma_wait3A_164 = tpu.memref_slice %arg7[%dma_wait3A_153, %dma_wait3A_162, %dma_wait3A_163] : memref<2x128x128xf32, #tpu.memory_space<vmem>> -> memref<1x128x128xf32, #tpu.memory_space<vmem>>
      %dma_wait3A_165 = tpu.memref_squeeze %dma_wait3A_164 : memref<1x128x128xf32, #tpu.memory_space<vmem>> -> memref<128x128xf32, #tpu.memory_space<vmem>>
      %dma_wait3A_166 = arith.constant 0 : i32
      %dma_wait3A_167 = arith.constant 0 : i32
      %dma_wait3A_168 = tpu.memref_slice %arg4[%dma_wait3A_152, %dma_wait3A_166, %dma_wait3A_167] : memref<3328x128x128xf32, #tpu.memory_space<hbm>> -> memref<1x128x128xf32, #tpu.memory_space<hbm>>
      %dma_wait3A_169 = tpu.memref_squeeze %dma_wait3A_168 : memref<1x128x128xf32, #tpu.memory_space<hbm>> -> memref<128x128xf32, #tpu.memory_space<hbm>>
      tpu.wait_dma2 semaphore(%arg9 : memref<!tpu.dma_semaphore, #tpu.memory_space<semaphore_mem>>) src(%dma_wait3A_169 : memref<128x128xf32, #tpu.memory_space<hbm>>) dst(%dma_wait3A_165 : memref<128x128xf32, #tpu.memory_space<vmem>>)
      %add3A_170 = arith.constant 1 : i32
      %add3A_171 = arith.addi %mul3A_40, %add3A_170 : i32
      %mul3A_172 = arith.constant 2 : i32
      %mul3A_173 = arith.muli %add3A_171, %mul3A_172 : i32
      %add3A_174 = arith.addi %mul3A_2, %mul3A_173 : i32
      %dma_start3A_175 = arith.constant 0 : i32
      %dma_start3A_176 = arith.constant 0 : i32
      %dma_start3A_177 = tpu.memref_slice %arg4[%add3A_174, %dma_start3A_175, %dma_start3A_176] : memref<3328x128x128xf32, #tpu.memory_space<hbm>> -> memref<2x128x128xf32, #tpu.memory_space<hbm>>
      %dma_start3A_178 = arith.constant 0 : i32
      %dma_start3A_179 = arith.constant 0 : i32
      %dma_start3A_180 = tpu.memref_slice %arg4[%add3A_174, %dma_start3A_178, %dma_start3A_179] : memref<3328x128x128xf32, #tpu.memory_space<hbm>> -> memref<2x128x128xf32, #tpu.memory_space<hbm>>
      tpu.enqueue_dma source(%arg7 : memref<2x128x128xf32, #tpu.memory_space<vmem>>) target(%dma_start3A_180 : memref<2x128x128xf32, #tpu.memory_space<hbm>>) target_semaphore(%arg11 : memref<!tpu.dma_semaphore, #tpu.memory_space<semaphore_mem>>)
    }
    %scan3A_30 = arith.constant 26 : i32
    %dma_wait3A = arith.constant 0 : i32
    %dma_wait3A_31 = arith.constant 0 : i32
    %dma_wait3A_32 = arith.constant 0 : i32
    %dma_wait3A_33 = tpu.memref_slice %arg4[%dma_wait3A, %dma_wait3A_31, %dma_wait3A_32] : memref<3328x128x128xf32, #tpu.memory_space<hbm>> -> memref<2x128x128xf32, #tpu.memory_space<hbm>>
    %dma_wait3A_34 = arith.constant 0 : i32
    %dma_wait3A_35 = arith.constant 0 : i32
    %dma_wait3A_36 = arith.constant 0 : i32
    %dma_wait3A_37 = tpu.memref_slice %arg4[%dma_wait3A_34, %dma_wait3A_35, %dma_wait3A_36] : memref<3328x128x128xf32, #tpu.memory_space<hbm>> -> memref<2x128x128xf32, #tpu.memory_space<hbm>>
    tpu.wait_dma2 semaphore(%arg11 : memref<!tpu.dma_semaphore, #tpu.memory_space<semaphore_mem>>) src(%arg7 : memref<2x128x128xf32, #tpu.memory_space<vmem>>) dst(%dma_wait3A_37 : memref<2x128x128xf32, #tpu.memory_space<hbm>>)
    return
  }
}

</mosaic_0001>

<sc_bundles>
// kernel: kernel.3.cloned.1.call-start
scs
__scs_entry_jumppad:
0x0: {  	(pc) =	sbr.rel $0x88, $3  }
0x1: {  	(tag) =	ssettag $0x0;
	lr =	simm.s32 $0x1  }
0x2: {  	[smem:$0x3F9F] =	sst lr;
	_ =	strace $0xD0000000  }
0x3: {  	_ = 	snop  }
0x4: {  	_ = 	snop  }
0x5: {  	_ = 	snop  }
0x6: {  	_ = 	snop  }
0x7: {  	_ = 	snop  }
__scs_overlays_trampoline_lowered:
0x8: {  	[smem:$0x3FAE] =	sst s0  }
0x9: {  	[smem:$0x3FAF] =	sst s1  }
0xa: {  	[smem:$0x3FB0] =	sst s2  }
0xb: {  	[smem:$0x3FB1] =	sst s3  }
0xc: {  	[smem:$0x3FB2] =	sst s4  }
0xd: {  	[smem:$0x3FB3] =	sst s5  }
0xe: {  	[smem:$0x3FB4] =	sst s6  }
0xf: {  	[smem:$0x3FB5] =	sst s7  }
0x10: {  	[smem:$0x3FB6] =	sst s8  }
0x11: {  	[smem:$0x3FB7] =	sst s9;
	s0 =	simm.s32 @!p0 $0x0  }
0x12: {  	s1 =	sld [smem:$0x3F9D];
	s0 =	simm.s32 @p0 $0x1  }
0x13: {  	[smem:$0x3FB8] =	sst s0;
	s0 =	simm.s32 @!p1 $0x0  }
0x14: {  	s2 =	sld [smem:$0x3F9C];
	s0 =	simm.s32 @p1 $0x1  }
0x15: {  	[smem:$0x3FB9] =	sst s0;
	s0 =	simm.s32 @!p2 $0x0  }
0x16: {  	s3 =	sld [smem:$0x3FDB];
	s0 =	simm.s32 @p2 $0x1  }
0x17: {  	s4 =	simm.s32 $0x1BF5;
	[smem:$0x3FBB] =	sst s0  }
0x18: {  	s0 =	sld [smem:$0x3F9E];
	_ =	swait.ge [sflag:s4], $0x0  }
0x19: {  	s7 =	sld [smem:$0x3F9F]  }
0x1a: {  	s8 =	sadd.s32 $0xFFFFE003, lr  }
0x1b: {  	s9 =	sadd.s32 $0xFFFFFEF7, lr;
	s5 =	simm.s32 $0xFFFFFFFF;
	p2 =	slt.u32 s8, $0xFFFFF086  }
0x1c: {  	p1 =	slt.u32 s9, $0xF7A;
	s5 =	simm.s32 @!p2 $0x0  }
0x1d: {  	s5 =	simm.s32 @p1 $0x1;
	p0 =	seq.s32 s7, s2  }
0x1e: {  	s7 =	smul.u32 @!p0 $0xF7A, s2;
	p2 =	seq.s32 @!p0 s5, $0x0  }
0x1f: {  	s9 =	smul.u32 $0xF7A, s1;
	s8 =	simm.s32 @!p0 $0x1BF5;
	p2 =	por !p2, p0  }
0x20: {  	[sflag:s8] =	ssyncset.s32 @!p0 $0xFFFFF086;
	s6 =	sadd.s32 @!p0 s3, s7;
	s7 =	simm.s32 @!p0 $0x108  }
0x21: {  	s3 =	sadd.s32 s3, s9;
	s6 =	sadd.s32 @!p0 $0x88, s6;
	s7 =	simm.s32 @p2 $0x1082  }
0x22: {  	[simem:s7], [sflag:s8] =	dma.local @!p0 [hbm:s6], $0xF7A  }
0x23: {  	s9 =	sor.u32 $0xD0000000, s2;
	s6 =	simm.s32 $0x108;
	_ =	swait.ge @!p0 [sflag:s8], $0x0  }
0x24: {  	s3 =	sadd.s32 $0x88, s3;
	s6 =	simm.s32 @!p1 $0x1082;
	[sflag:s4] =	ssyncset.s32 $0xFFFFF086  }
0x25: {  	[simem:s6], [sflag:s4] =	dma.local [hbm:s3], $0xF7A  }
0x26: {  	[smem:$0x3F9F] =	sst s1;
	(tag) =	ssettag s2;
	_ =	strace s9  }
0x27: {  	s1 =	sld [smem:$0x3FAF]  }
0x28: {  	s2 =	sld [smem:$0x3FB0]  }
0x29: {  	s4 =	sld [smem:$0x3FB2]  }
0x2a: {  	p0 =	seq.s32 s5, $0x0;
	s5 =	sld [smem:$0x3FB3]  }
0x2b: {  	s6 =	sld [smem:$0x3FB4]  }
0x2c: {  	s7 =	sld [smem:$0x3FB5]  }
0x2d: {  	s3 =	simm.s32 $0x108;
	s8 =	sld [smem:$0x3FB6]  }
0x2e: {  	s3 =	simm.s32 @!p0 $0x1082;
	s9 =	sld [smem:$0x3FB7]  }
0x2f: {  	lr =	sadd.s32 s0, s3;
	s0 =	sld [smem:$0x3FAE]  }
0x30: {  	s3 =	sld [smem:$0x3FB1]  }
0x31: {  	[smem:$0x3FBA] =	sst s10  }
0x32: {  	s10 =	sld [smem:$0x3FB8];
	_ =	sdelay $0x3  }
0x33: {  	p0 =	seq.s32 s10, $0x1;
	s10 =	sld [smem:$0x3FBA];
	_ =	sdelay $0x3  }
0x34: {  	[smem:$0x3FBA] =	sst s10  }
0x35: {  	s10 =	sld [smem:$0x3FB9];
	_ =	sdelay $0x3  }
0x36: {  	p1 =	seq.s32 s10, $0x1;
	s10 =	sld [smem:$0x3FBA];
	_ =	sdelay $0x3  }
0x37: {  	[smem:$0x3FBA] =	sst s10  }
0x38: {  	s10 =	sld [smem:$0x3FBB]  }
0x39: {  	_ = 	snop;
	(pc) =	sbr.ind lr, $3  }
0x3a: {  	_ = 	snop  }
0x3b: {  	_ = 	snop  }
0x3c: {  	p2 =	seq.s32 s10, $0x1;
	s10 =	sld [smem:$0x3FBA]  }
0x3d: {  	_ =	shalt  }
0x3e: {  	_ =	shalt  }
0x3f: {  	_ =	shalt  }
0x40: {  	_ =	shalt  }
0x41: {  	_ =	shalt  }
0x42: {  	_ =	shalt  }
0x43: {  	_ =	shalt  }
0x44: {  	_ =	shalt  }
0x45: {  	_ =	shalt  }
0x46: {  	_ =	shalt  }
0x47: {  	_ =	shalt  }
0x48: {  	_ =	shalt  }
0x49: {  	_ =	shalt  }
0x4a: {  	_ =	shalt  }
0x4b: {  	_ =	shalt  }
0x4c: {  	_ =	shalt  }
0x4d: {  	_ =	shalt  }
0x4e: {  	_ =	shalt  }
0x4f: {  	_ =	shalt  }
0x50: {  	_ =	shalt  }
0x51: {  	_ =	shalt  }
0x52: {  	_ =	shalt  }
0x53: {  	_ =	shalt  }
0x54: {  	_ =	shalt  }
0x55: {  	_ =	shalt  }
0x56: {  	_ =	shalt  }
0x57: {  	_ =	shalt  }
0x58: {  	_ =	shalt  }
0x59: {  	_ =	shalt  }
0x5a: {  	_ =	shalt  }
0x5b: {  	_ =	shalt  }
0x5c: {  	_ =	shalt  }
0x5d: {  	_ =	shalt  }
0x5e: {  	_ =	shalt  }
0x5f: {  	_ =	shalt  }
0x60: {  	_ =	shalt  }
0x61: {  	_ =	shalt  }
0x62: {  	_ =	shalt  }
0x63: {  	_ =	shalt  }
0x64: {  	_ =	shalt  }
0x65: {  	_ =	shalt  }
0x66: {  	_ =	shalt  }
0x67: {  	_ =	shalt  }
0x68: {  	_ =	shalt  }
0x69: {  	_ =	shalt  }
0x6a: {  	_ =	shalt  }
0x6b: {  	_ =	shalt  }
0x6c: {  	_ =	shalt  }
0x6d: {  	_ =	shalt  }
0x6e: {  	_ =	shalt  }
0x6f: {  	_ =	shalt  }
0x70: {  	_ =	shalt  }
0x71: {  	_ =	shalt  }
0x72: {  	_ =	shalt  }
0x73: {  	_ =	shalt  }
0x74: {  	_ =	shalt  }
0x75: {  	_ =	shalt  }
0x76: {  	_ =	shalt  }
0x77: {  	_ =	shalt  }
0x78: {  	_ =	shalt  }
0x79: {  	_ =	shalt  }
0x7a: {  	_ =	shalt  }
0x7b: {  	_ =	shalt  }
0x7c: {  	_ =	shalt  }
0x7d: {  	_ =	shalt  }
0x7e: {  	_ =	shalt  }
0x7f: {  	_ =	shalt  }
0x80: {  	_ =	shalt  }
0x81: {  	_ =	shalt  }
0x82: {  	_ =	shalt  }
0x83: {  	_ =	shalt  }
0x84: {  	_ =	shalt  }
0x85: {  	_ =	shalt  }
0x86: {  	_ =	shalt  }
0x87: {  	_ =	shalt  }
.Lfunc_end0:
.L_simem_size_0:
called_computation_lowered:
.L_overlay_start_0:
0x88: {  	s2 =	sld [smem:$0x3FD9]  }
0x89: {  	s3 =	sld [smem:$0x3FFE];
	_ =	sdelay $0x1  }
0x8a: {  	s1 =	srdreg.scid  }
0x8b: {  	s0 =	sand.u32 $0x1, s1  }
0x8c: {  	s17 =	sshll.u32 s0, $0xA;
	s2 =	sadd.s32 s3, s2  }
0x8d: {  	s2 =	sadd.s32 s2, s17  }
0x8e: {  	[smem:$0x3FC6] =	sst s2  }
0x8f: {  	_ = 	snop  }
0x90: {  	s2 =	sld [smem:$0x3FC8]  }
0x91: {  	s18 =	sld [smem:$0x3FD0];
	(tm) =	ssettm $0x1  }
0x92: {  	s4 =	sld [smem:$0x3FFB];
	_ =	sdelay $0x3  }
0x93: {  	_ =	strace s4  }
0x94: {  	s4 =	sld [smem:$0x3FFC];
	_ =	sdelay $0x3  }
0x95: {  	_ =	strace s4  }
0x96: {  	s4 =	sld [smem:$0x3FFD];
	_ =	sdelay $0x3  }
0x97: {  	_ =	strace s4  }
0x98: {  	_ =	strace $0x8FFFFFFF  }
0x99: {  	s19 =	sld [smem:$0x3FDB];
	_ =	sdelay $0x1  }
0x9a: {  	s5 =	simm.s32 $_scs_section_size  }
0x9b: {  	s6 =	simm.s32 $_size__tile_overlayer_lowered;
	s7 =	simm.s32 $_tile_overlayer_lowered  }
0x9c: {  	s22 =	simm.s32 $0x1BFF;
	s21 =	sshll.u32 s7, $0x1;
	s4 =	sadd.s32 s5, s19  }
0x9d: {  	s8 =	simm.s32 $0x0;
	s20 =	sshll.u32 s6, $0x1;
	s6 =	sadd.s32 s21, s4  }
0x9e: {  	[timem:s8], [sflag:s22] =	dma.local [hbm:s6], s20  }
0x9f: {  	_ =	swait.ge [sflag:s22], s20  }
0xa0: {  	s5 =	ssub.s32 $0x0, s20;
	[sflag:s22] =	ssyncset.done $0x0  }
0xa1: {  	[sflag:s22] =	ssyncadd.s32 s5;
	_ =	sdelay $0x1  }
0xa2: {  	s23 =	simm.s32 $0x1B8B  }
0xa3: {  	_ =	swait.ge [sflag:s23], $0x1  }
0xa4: {  	[sflag:s23] =	ssyncset.done $0x0  }
0xa5: {  	s25 =	simm.s32 $0x1B8E;
	s24 =	sld [smem:$0x3FFE];
	[sflag:s23] =	ssyncadd.s32 $0xFFFFFFFF  }
0xa6: {  	s26 =	simm.s32 $execute0_lowered;
	[smem:$0x3FD2] =	sst s25  }
0xa7: {  	s6 =	sshll.u32 s26, $0x1;
	_ =	strace $0x80000046;
	[dreg:$0x1] =	wrdreg $0xFFFFFFFF  }
0xa8: {  	s28 =	simm.s32 $_size_execute0_lowered;
	s4 =	sadd.s32 s4, s6;
	[dreg:$0x0] =	wrdreg $0x0  }
0xa9: {  	s6 =	sshll.u32 s28, $0x1;
	[dreg:$0x2] =	wrdreg s4  }
0xaa: {  	[dreg:$0x3] =	wrdreg s6  }
0xab: {  	[dreg:$0x4] =	wrdreg $0xC0  }
0xac: {  	_ =	task [dreg:s8], $0x5FFFF  }
0xad: {  	[dreg:$0x1] =	wrdreg $0xFFFFFFFF  }
0xae: {  	[dreg:$0x0] =	wrdreg $0x60  }
0xaf: {  	[dreg:$0x2] =	wrdreg s24  }
0xb0: {  	[dreg:$0x3] =	wrdreg s2  }
0xb1: {  	[dreg:$0x4] =	wrdreg s18  }
0xb2: {  	[dreg:$0x5] =	wrdreg $0x9  }
0xb3: {  	_ =	task.clear_ibuf [dreg:s8], $0x6FFFF;
	_ =	strace $0x90000046  }
0xb4: {  	s29 =	simm.s32 $0x9;
	_ =	strace $0x80000048  }
0xb5: {  	_ =	swait.ge [sflag:s29], $0x1  }
0xb6: {  	[sflag:s29] =	ssyncadd.s32 $0xFFFFFFFF  }
0xb7: {  	_ =	strace $0x90000048  }
0xb8: {  	_ =	sfence  }
0xb9: {  	s30 =	sld [smem:$0x0];
	_ =	sdelay $0x2  }
0xba: {  	s31 =	sshll.u32 s1, $0xD;
	s1 =	sshrl.u32 s1, $0x2  }
0xbb: {  	s3 =	sand.u32 $0x4000, s31;
	s1 =	sadd.s32 s1, s30  }
0xbc: {  	s0 =	sor.u32 s3, s0;
	s1 =	sshll.u32 s1, $0x11  }
0xbd: {  	s0 =	sor.u32 s1, s0  }
0xbe: {  	s0 =	sadd.s32 $0x8F2B, s0  }
0xbf: {  	[sflag:s0] =	ssyncadd.remote.s32 $0x1  }
0xc0: {  	_ =	sfence.sel $0xFFFF  }
0xc1: {  	[dreg:$0x0] =	wrdreg $0xFFFFFFFF;
	(pc) =	sbr.abs _section_cstart, $3  }
0xc2: {  	[dreg:$0x1] =	wrdreg $0xFFFFFFFF  }
0xc3: {  	_ =	task.clear_ibuf [dreg:s8], $0x2FFFF;
	_ =	strace $0x9FFFFFFF  }
0xc4: {  	(tm) =	ssettm $0x7FFFFFFF  }
0xc5: {  	_ =	shalt  }
tec
execute0_lowered:
.L_overlay_start_1:
0x0: {  	(tag) =	ssettag $0x1  }
0x1: {  	s1 =	rddreg [dreg:$0x0]  }
0x2: {  	s0 =	srdreg.scid;
	s2 =	rddreg [dreg:$0x1]  }
0x3: {  	s10 =	stileid.u32;
	s11 =	rddreg [dreg:$0x2]  }
0x4: {  	s12 =	simm.s32 $0x5;
	s13 =	simm.s32 $0x80;
	s14 =	simm.s32 $0x3400  }
0x5: {  	s15 =	simm.s32 $0x7400;
	s17 =	simm.s32 $0xB400;
	s19 =	simm.s32 $0xF400  }
0x6: {  	s20 =	simm.s32 $0x1;
	s21 =	simm.s32 $0x3;
	s8 =	smul.u32 $0x340000, s10  }
0x7: {  	s22 =	simm.s32 $0x200;
	s0 =	sand.u32 $0x1, s0;
	s26 =	smul.u32 $0xD0, s10  }
0x8: {  	s23 =	simm.s32 $0x280;
	s3 =	sshll.u32 s10, $0x1;
	s9 =	smul.u32 $0x1A0000, s0  }
0x9: {  	s4 =	sor.u32 s0, s3;
	s24 =	ssub.s32 $0x2, s0;
	s0 =	smul.u32 $0x68, s0  }
0xa: {  	s28 =	simm.s32 $0x3380;
	s3 =	simm.s32 $0x0;
	s5 =	smul.u32 $0x680, s4  }
0xb: {  	s29 =	simm.s32 $0x0;
	s6 =	smul.u32 $0x1A0000, s4;
	[smem:$0x7FF] =	sst s3  }
0xc: {  	s7 =	smul.u32 $0x34000, s4;
	s25 =	sshrl.u32 s24, $0x1;
	_ =	strace $0x80000047  }
0xd: {  	s8 =	sadd.s32 s9, s8;
	s0 =	sadd.s32 s0, s26;
	s26 =	simm.s32 $0x3300  }
0xe: {  	s1 =	sadd.s32 s5, s1;
	s5 =	ssub.s32 s24, s25;
	s6 =	sshrl.u32 s6, $0x3  }
0xf: {  	s30 =	sadd.s32 s11, s7;
	s9 =	sor.u32 $0x10000, s8;
	s0 =	sshll.u32 s0, $0xB  }
0x10: {  	s24 =	simm.s32 $0x2;
	s25 =	simm.s32 $0x4;
	s4 =	sadd.s32 $0x400, s1  }
0x11: {  	s5 =	smax.u32 s5, $0x1;
	s6 =	sadd.s32 s11, s6;
	s7 =	sadd.s32 $0x1000, s30  }
0x12: {  	s31 =	sshrl.u32 s9, $0x3;
	s9 =	sadd.s32 $0x33000, s30;
	s0 =	sadd.s32 s0, s11  }
0x13: {  	s8 =	sadd.s32 $0x32000, s6;
	s10 =	sadd.s32 s31, s11;
	s0 =	sadd.s32 $0x3000, s0  }
.LBB2_1:
0x14: {  	[tilespmem:s3], [sflag:$0x5] =	stream.linear.gather [hbm4b:s4+s3], $0x3400, $0x38;
	[tilespmem:$0x13400] =	vst v63  }
0x15: {  	_ =	swait.ge [sflag:s12], $0x3400  }
0x16: {  	[sflag:s12] =	ssyncset.done $0x0  }
0x17: {  	[sflag:s12] =	ssyncadd.s32 $0xFFFFCC00  }
0x18: {  	[tilespmem:s14], [sflag:$0x1] =	stream.indirect.gather [hbm4b:s2+s13], $0x80, s3, s13, $0xb8;
	[tilespmem:$0x13400] =	vst v63  }
0x19: {  	_ = 	snop  }
0x1a: {  	[tilespmem:s15], [sflag:$0x1] =	stream.indirect.gather [hbm4b:s2+s13], $0x80, s13, s13, $0xb8;
	[tilespmem:$0x13400] =	vst v63  }
0x1b: {  	s1 =	simm.s32 $0x100  }
0x1c: {  	[tilespmem:s17], [sflag:$0x2] =	stream.indirect.gather [hbm4b:s2+s13], $0x80, s1, s13, $0xb8;
	[tilespmem:$0x13400] =	vst v63  }
0x1d: {  	s16 =	simm.s32 $0x180  }
0x1e: {  	[tilespmem:s19], [sflag:$0x2] =	stream.indirect.gather [hbm4b:s2+s13], $0x80, s16, s13, $0xb8;
	[tilespmem:$0x13400] =	vst v63  }
0x1f: {  	_ =	swait.ge [sflag:s20], $0x4000  }
0x20: {  	[sflag:s20] =	ssyncset.done $0x0  }
0x21: {  	[sflag:s20] =	ssyncadd.s32 $0xFFFFC000  }
0x22: {  	_ =	swait.ge [sflag:s20], $0x4000  }
0x23: {  	[sflag:s20] =	ssyncset.done $0x0  }
0x24: {  	[sflag:s20] =	ssyncadd.s32 $0xFFFFC000  }
0x25: {  	[hbm4b:s6+s3] =	stream.linear.scatter [tilespmem:s14], [sflag:$0x3], $0x8000, $0x38;
	[tilespmem:$0x13400] =	vst v63  }
0x26: {  	_ =	swait.ge [sflag:s21], $0x8000  }
0x27: {  	[sflag:s21] =	ssyncset.done $0x0  }
0x28: {  	[sflag:s21] =	ssyncadd.s32 $0xFFFF8000  }
0x29: {  	[tilespmem:s14], [sflag:$0x1] =	stream.indirect.gather [hbm4b:s2+s13], $0x80, s22, s13, $0xb8;
	[tilespmem:$0x13400] =	vst v63  }
0x2a: {  	_ = 	snop  }
0x2b: {  	[tilespmem:s15], [sflag:$0x1] =	stream.indirect.gather [hbm4b:s2+s13], $0x80, s23, s13, $0xb8;
	[tilespmem:$0x13400] =	vst v63  }
0x2c: {  	_ =	swait.ge [sflag:s24], $0x4000  }
0x2d: {  	[sflag:s24] =	ssyncset.done $0x0  }
0x2e: {  	[sflag:s24] =	ssyncadd.s32 $0xFFFFC000  }
0x2f: {  	_ =	swait.ge [sflag:s24], $0x4000  }
0x30: {  	[sflag:s24] =	ssyncset.done $0x0  }
0x31: {  	[sflag:s24] =	ssyncadd.s32 $0xFFFFC000  }
0x32: {  	[hbm4b:s7+s3] =	stream.linear.scatter [tilespmem:s17], [sflag:$0x4], $0x8000, $0x38;
	[tilespmem:$0x13400] =	vst v63  }
0x33: {  	_ =	swait.ge [sflag:s25], $0x8000  }
0x34: {  	[sflag:s25] =	ssyncset.done $0x0  }
0x35: {  	s18 =	simm.s32 $0x300;
	[sflag:s25] =	ssyncadd.s32 $0xFFFF8000  }
0x36: {  	[tilespmem:s17], [sflag:$0x2] =	stream.indirect.gather [hbm4b:s2+s13], $0x80, s18, s13, $0xb8;
	[tilespmem:$0x13400] =	vst v63  }
0x37: {  	s11 =	simm.s32 $0x380  }
0x38: {  	[tilespmem:s19], [sflag:$0x2] =	stream.indirect.gather [hbm4b:s2+s13], $0x80, s11, s13, $0xb8;
	[tilespmem:$0x13400] =	vst v63  }
0x39: {  	_ =	swait.ge [sflag:s20], $0x4000  }
0x3a: {  	[sflag:s20] =	ssyncset.done $0x0  }
0x3b: {  	[sflag:s20] =	ssyncadd.s32 $0xFFFFC000  }
0x3c: {  	_ =	swait.ge [sflag:s20], $0x4000  }
0x3d: {  	[sflag:s20] =	ssyncset.done $0x0  }
0x3e: {  	[sflag:s20] =	ssyncadd.s32 $0xFFFFC000  }
0x3f: {  	[hbm4b:s10+s3] =	stream.linear.scatter [tilespmem:s14], [sflag:$0x3], $0x8000, $0x38;
	[tilespmem:$0x13400] =	vst v63  }
0x40: {  	_ =	swait.ge [sflag:s21], $0x8000  }
0x41: {  	[sflag:s21] =	ssyncset.done $0x0  }
0x42: {  	s16 =	simm.s32 $0x400;
	[sflag:s21] =	ssyncadd.s32 $0xFFFF8000  }
0x43: {  	[tilespmem:s14], [sflag:$0x1] =	stream.indirect.gather [hbm4b:s2+s13], $0x80, s16, s13, $0xb8;
	[tilespmem:$0x13400] =	vst v63  }
0x44: {  	s18 =	simm.s32 $0x480  }
0x45: {  	[tilespmem:s15], [sflag:$0x1] =	stream.indirect.gather [hbm4b:s2+s13], $0x80, s18, s13, $0xb8;
	[tilespmem:$0x13400] =	vst v63  }
0x46: {  	_ =	swait.ge [sflag:s24], $0x4000  }
0x47: {  	[sflag:s24] =	ssyncset.done $0x0  }
0x48: {  	[sflag:s24] =	ssyncadd.s32 $0xFFFFC000  }
0x49: {  	_ =	swait.ge [sflag:s24], $0x4000  }
0x4a: {  	s30 =	simm.s32 $0x800;
	s31 =	sadd.s32 $0x2000, s10;
	[sflag:s24] =	ssyncset.done $0x0  }
0x4b: {  	s1 =	sadd.s32 $0x2000, s0;
	s11 =	smov.u32 s0;
	[sflag:s24] =	ssyncadd.s32 $0xFFFFC000  }
.LBB2_2:
0x4c: {  	[hbm4b:s11+s3] =	stream.linear.scatter [tilespmem:s17], [sflag:$0x4], $0x8000, $0x38;
	[tilespmem:$0x13400] =	vst v63  }
0x4d: {  	s16 =	smov.u32 s30;
	s11 =	smov.u32 s1  }
0x4e: {  	p0 =	sne.s32 s30, $0xB800;
	s30 =	sadd.s32 $0x800, s30;
	_ =	swait.ge [sflag:s25], $0x8000  }
0x4f: {  	s16 =	sshra.s32 s16, $0x2;
	[sflag:s25] =	ssyncset.done $0x0  }
0x50: {  	s18 =	sadd.s32 $0x300, s16;
	[sflag:s25] =	ssyncadd.s32 $0xFFFF8000  }
0x51: {  	[tilespmem:s17], [sflag:$0x2] =	stream.indirect.gather [hbm4b:s2+s13], $0x80, s18, s13, $0xb8;
	[tilespmem:$0x13400] =	vst v63  }
0x52: {  	s18 =	sadd.s32 $0x380, s16  }
0x53: {  	[tilespmem:s19], [sflag:$0x2] =	stream.indirect.gather [hbm4b:s2+s13], $0x80, s18, s13, $0xb8;
	[tilespmem:$0x13400] =	vst v63  }
0x54: {  	_ =	swait.ge [sflag:s20], $0x4000  }
0x55: {  	[sflag:s20] =	ssyncset.done $0x0  }
0x56: {  	[sflag:s20] =	ssyncadd.s32 $0xFFFFC000  }
0x57: {  	_ =	swait.ge [sflag:s20], $0x4000  }
0x58: {  	[sflag:s20] =	ssyncset.done $0x0  }
0x59: {  	[sflag:s20] =	ssyncadd.s32 $0xFFFFC000  }
0x5a: {  	[hbm4b:s31+s3] =	stream.linear.scatter [tilespmem:s14], [sflag:$0x3], $0x8000, $0x38;
	[tilespmem:$0x13400] =	vst v63  }
0x5b: {  	_ =	swait.ge [sflag:s21], $0x8000  }
0x5c: {  	[sflag:s21] =	ssyncset.done $0x0  }
0x5d: {  	s18 =	sadd.s32 $0x400, s16;
	[sflag:s21] =	ssyncadd.s32 $0xFFFF8000  }
0x5e: {  	[tilespmem:s14], [sflag:$0x1] =	stream.indirect.gather [hbm4b:s2+s13], $0x80, s18, s13, $0xb8;
	[tilespmem:$0x13400] =	vst v63  }
0x5f: {  	s16 =	sadd.s32 $0x480, s16  }
0x60: {  	[tilespmem:s15], [sflag:$0x1] =	stream.indirect.gather [hbm4b:s2+s13], $0x80, s16, s13, $0xb8;
	[tilespmem:$0x13400] =	vst v63  }
0x61: {  	_ =	swait.ge [sflag:s24], $0x4000  }
.Ltmp0:
0x62: {  	[sflag:s24] =	ssyncset.done $0x0;
	(pc) =	sbr.rel @p0 .LBB2_2-.Ltmp0, $4  }
0x63: {  	[sflag:s24] =	ssyncadd.s32 $0xFFFFC000  }
0x64: {  	_ =	swait.ge [sflag:s24], $0x4000  }
0x65: {  	[sflag:s24] =	ssyncset.done $0x0  }
0x66: {  	s1 =	sadd.s32 $0x2000, s1;
	s31 =	sadd.s32 $0x2000, s31;
	[sflag:s24] =	ssyncadd.s32 $0xFFFFC000  }
0x67: {  	[hbm4b:s11+s3] =	stream.linear.scatter [tilespmem:s17], [sflag:$0x4], $0x8000, $0x38;
	[tilespmem:$0x13400] =	vst v63  }
0x68: {  	_ =	swait.ge [sflag:s25], $0x8000  }
0x69: {  	[sflag:s25] =	ssyncset.done $0x0  }
0x6a: {  	[sflag:s25] =	ssyncadd.s32 $0xFFFF8000  }
0x6b: {  	[tilespmem:s17], [sflag:$0x2] =	stream.indirect.gather [hbm4b:s2+s13], $0x80, s26, s13, $0xb8;
	[tilespmem:$0x13400] =	vst v63  }
0x6c: {  	_ = 	snop  }
0x6d: {  	[tilespmem:s19], [sflag:$0x2] =	stream.indirect.gather [hbm4b:s2+s13], $0x80, s28, s13, $0xb8;
	[tilespmem:$0x13400] =	vst v63  }
0x6e: {  	_ =	swait.ge [sflag:s20], $0x4000  }
0x6f: {  	[sflag:s20] =	ssyncset.done $0x0  }
0x70: {  	[sflag:s20] =	ssyncadd.s32 $0xFFFFC000  }
0x71: {  	_ =	swait.ge [sflag:s20], $0x4000  }
0x72: {  	[sflag:s20] =	ssyncset.done $0x0  }
0x73: {  	[sflag:s20] =	ssyncadd.s32 $0xFFFFC000  }
0x74: {  	[hbm4b:s8+s3] =	stream.linear.scatter [tilespmem:s14], [sflag:$0x3], $0x8000, $0x38;
	[tilespmem:$0x13400] =	vst v63  }
0x75: {  	_ =	swait.ge [sflag:s21], $0x8000  }
0x76: {  	[sflag:s21] =	ssyncset.done $0x0  }
0x77: {  	[sflag:s21] =	ssyncadd.s32 $0xFFFF8000  }
0x78: {  	_ =	swait.ge [sflag:s24], $0x4000  }
0x79: {  	[sflag:s24] =	ssyncset.done $0x0  }
0x7a: {  	[sflag:s24] =	ssyncadd.s32 $0xFFFFC000  }
0x7b: {  	s29 =	sadd.s32 $0x1, s29;
	_ =	swait.ge [sflag:s24], $0x4000  }
0x7c: {  	p0 =	sne.s32 s29, s5;
	[sflag:s24] =	ssyncset.done $0x0  }
.Ltmp1:
0x7d: {  	[sflag:s24] =	ssyncadd.s32 $0xFFFFC000;
	(pc) =	sbr.rel @p0 .LBB2_1-.Ltmp1, $4  }
0x7e: {  	[hbm4b:s9+s3] =	stream.linear.scatter [tilespmem:s17], [sflag:$0x4], $0x8000, $0x38;
	[tilespmem:$0x13400] =	vst v63  }
0x7f: {  	_ =	swait.ge [sflag:s25], $0x8000  }
0x80: {  	[sflag:s25] =	ssyncset.done $0x0  }
0x81: {  	[sflag:s25] =	ssyncadd.s32 $0xFFFF8000  }
0x82: {  	_ =	sfence.sel $0x180000  }
0x83: {  	[bflag:$0x0] =	sbarrier.arrive $0xFFFF  }
0x84: {  	_ =	strace $0x90000047  }
0x85: {  	s0 =	stileid.u32;
	[bflag:$0x2] =	sbarrier.arrive $0xFFFF  }
0x86: {  	p0 =	sne.s32 s0, $0x0;
	s0 =	rddreg [dreg:$0x3]  }
0x87: {  	s0 =	sadd.s32 @!p0 $0x100000, s0  }
0x88: {  	[sflag:s0] =	ssyncadd.tile.s32 @!p0 $0x1;
	_ =	shalt  }
.Lfunc_end2:
_tile_overlayer_lowered:
.L_overlay_start_2:
0x89: {  	(tag) =	ssettag $0x2  }
0x8a: {  	s0 =	rddreg [dreg:$0x0];
	s2 =	stileid.u32  }
0x8b: {  	s1 =	rddreg [dreg:$0x1];
	p0 =	sne.s32 s2, $0x0  }
0x8c: {  	s3 =	rddreg [dreg:$0x2];
	[bflag:$0x3] =	sbarrier.arrive $0xFFFF;
	s2 =	simm.s32 @!p0 $0x1C05  }
0x8d: {  	[timem:s3], [sflag:s2] =	dma.local @!p0 [hbm:s0], s1  }
0x8e: {  	s0 =	simm.s32 @!p0 $0x5  }
0x8f: {  	_ =	swait.ge @!p0 [sflag:s0], s1  }
0x90: {  	s1 =	ssub.s32 @!p0 $0x0, s1;
	[sflag:s0] =	ssyncset.done @!p0 $0x0  }
0x91: {  	[sflag:s0] =	ssyncadd.s32 @!p0 s1  }
0x92: {  	[bflag:$0x3] =	sbarrier.arrive $0xFFFF  }
0x93: {  	_ =	shalt  }

</sc_bundles>
